<compile_context>
chip_gen: v7x
topology: tpu7x:2x2x1
jax: 0.10.2.dev20260603
libtpu: 0.0.44.dev20260713+nightly
codegen_flags: <defaults>
</compile_context>

<pallas_src>
import functools

import jax
import jax.numpy as jnp
from jax import lax
from jax.experimental import pallas as pl
from jax.experimental.pallas import tpu as pltpu
from jax.experimental.pallas import tpu_sc as plsc

D_MODEL = 128
NUM_CORES = 2
NUM_SUBCORES = 16
NUM_WORKERS = NUM_CORES * NUM_SUBCORES
CHUNK = 128
NBUF = 5

_mesh = plsc.VectorSubcoreMesh(
    core_axis_name="c",
    subcore_axis_name="s",
    num_cores=NUM_CORES,
    num_subcores=NUM_SUBCORES,
)


def _make_kernel(total_idx):
  per_w = total_idx // NUM_WORKERS
  nch = per_w // CHUNK

  @functools.partial(
      pl.kernel,
      out_type=jax.ShapeDtypeStruct((total_idx, D_MODEL), jnp.float32),
      mesh=_mesh,
      compiler_params=pltpu.CompilerParams(use_tc_tiling_on_sc=True),
      scratch_types=[
          pltpu.VMEM((nch, CHUNK), jnp.int32),
          [pltpu.VMEM((CHUNK, D_MODEL), jnp.float32) for _ in range(NBUF)],
          [pltpu.SemaphoreType.DMA for _ in range(NBUF)],
          [pltpu.SemaphoreType.DMA for _ in range(NBUF)],
      ],
  )
  def gather_kernel(idx_hbm, table_hbm, out_hbm, idx_v, rows, gsem, osem):
    wid = lax.axis_index("s") * NUM_CORES + lax.axis_index("c")
    base = wid * per_w

    pltpu.sync_copy(idx_hbm.at[wid], idx_v)

    def gather_start(c, b):
      pltpu.async_copy(table_hbm.at[idx_v.at[c]], rows[b], gsem[b])

    def gather_wait(b):
      pltpu.make_async_copy(table_hbm.at[idx_v.at[0]], rows[b], gsem[b]).wait()

    def out_start(c, b):
      pltpu.async_copy(rows[b], out_hbm.at[pl.ds(base + c * CHUNK, CHUNK)],
                       osem[b])

    def out_wait(b):
      pltpu.make_async_copy(rows[b], out_hbm.at[pl.ds(base, CHUNK)],
                            osem[b]).wait()

    for b in range(NBUF):
      gather_start(b, b)

    @pl.loop(0, nch, step=NBUF)
    def _(j):
      for b in range(NBUF):
        c = j + b
        gather_wait(b)
        out_start(c, b)

        @pl.when(c + NBUF < nch)
        def _():
          out_wait(b)
          gather_start(c + NBUF, b)

    for b in range(NBUF):
      out_wait(b)

  return gather_kernel


@jax.jit
def kernel(edge_type, pe):
  n, k = edge_type.shape
  total = n * k
  idx = edge_type.T.reshape(NUM_WORKERS, total // (NUM_WORKERS * CHUNK), CHUNK)
  out = _make_kernel(total)(idx, pe)
  return out.reshape(k, n, D_MODEL).transpose(1, 0, 2)

# --- scband reference (transcript-rebuilt; emitter-appended) ---
"""Pipeline reference for scband-positional-encoding-sine-cosine-25769804020 (READ-ONLY COPY).

The authoritative reference and input builder live on the scoring server;
editing this copy changes nothing except your own understanding.
"""

import jax, jax.numpy as jnp
import numpy as np

D_MODEL = 128
MAX_LEN = 100000


def make_pe(d_model, max_len):
    position = np.arange(max_len, dtype=np.float32)[:, None]
    div_term = np.exp(np.arange(0, d_model, 2, dtype=np.float32) * (-np.log(10000.0) / d_model))
    pe = np.zeros((max_len, d_model), dtype=np.float32)
    pe[:, 0::2] = np.sin(position * div_term)
    pe[:, 1::2] = np.cos(position * div_term)
    return jnp.asarray(pe)


def setup_inputs(seed: int = 0) -> dict:
    key = jax.random.key(seed)
    edge_type = jax.random.randint(key, (4096, 50), 0, MAX_LEN, dtype=jnp.int32)
    pe = make_pe(D_MODEL, MAX_LEN)
    return {"edge_type": edge_type, "pe": pe}


def reference(edge_type, pe):
    # pe[edge_type] -> gather rows of the sinusoidal table
    return jnp.take(pe, edge_type, axis=0)

if __name__ == "__main__":
    import jax
    _d = setup_inputs()
    print(jax.jit(kernel)(*tuple(_d.values())))

</pallas_src>

<mosaic_0001>
#map = affine_map<(d0, d1) -> (0, 0, 0)>
#map1 = affine_map<(d0, d1) -> (0, 0)>
module attributes {stable_mosaic.version = 14 : i64} {
  func.func @gather_kernel(%arg0: i32, %arg1: i32, %arg2: memref<32x50x128xi32, #tpu.memory_space<hbm>>, %arg3: memref<100000x128xf32, #tpu.memory_space<hbm>>, %arg4: memref<204800x128xf32, #tpu.memory_space<hbm>>, %arg5: memref<50x128xi32, #tpu.memory_space<vmem>>, %arg6: memref<128x128xf32, #tpu.memory_space<vmem>>, %arg7: memref<128x128xf32, #tpu.memory_space<vmem>>, %arg8: memref<128x128xf32, #tpu.memory_space<vmem>>, %arg9: memref<128x128xf32, #tpu.memory_space<vmem>>, %arg10: memref<128x128xf32, #tpu.memory_space<vmem>>, %arg11: memref<!tpu.dma_semaphore, #tpu.memory_space<semaphore_mem>>, %arg12: memref<!tpu.dma_semaphore, #tpu.memory_space<semaphore_mem>>, %arg13: memref<!tpu.dma_semaphore, #tpu.memory_space<semaphore_mem>>, %arg14: memref<!tpu.dma_semaphore, #tpu.memory_space<semaphore_mem>>, %arg15: memref<!tpu.dma_semaphore, #tpu.memory_space<semaphore_mem>>, %arg16: memref<!tpu.dma_semaphore, #tpu.memory_space<semaphore_mem>>, %arg17: memref<!tpu.dma_semaphore, #tpu.memory_space<semaphore_mem>>, %arg18: memref<!tpu.dma_semaphore, #tpu.memory_space<semaphore_mem>>, %arg19: memref<!tpu.dma_semaphore, #tpu.memory_space<semaphore_mem>>, %arg20: memref<!tpu.dma_semaphore, #tpu.memory_space<semaphore_mem>>) attributes {dimension_semantics = [#tpu.dimension_semantics<core_parallel>, #tpu.dimension_semantics<subcore_parallel>], iteration_bounds = array<i64: 2, 16>, scalar_prefetch = 0 : i64, scratch_operands = 16 : i64, tpu.core_type = #tpu.core_type<sc_vector_subcore>, window_params = [{transform_indices = #map}, {transform_indices = #map1}, {transform_indices = #map1}]} {
    %mul3A = arith.constant 2 : i32
    %mul3A_0 = arith.muli %arg1, %mul3A : i32
    %add3A = arith.addi %mul3A_0, %arg0 : i32
    %mul3A_1 = arith.constant 6400 : i32
    %mul3A_2 = arith.muli %add3A, %mul3A_1 : i32
    "tpu.region"() ({
      %run_scoped3A = tpu.sem_alloc : memref<!tpu.dma_semaphore, #tpu.memory_space<semaphore_mem>>
      %dma_start3A_60 = arith.constant 0 : i32
      %dma_start3A_61 = arith.constant 0 : i32
      %dma_start3A_62 = tpu.memref_slice %arg2[%add3A, %dma_start3A_60, %dma_start3A_61] : memref<32x50x128xi32, #tpu.memory_space<hbm>> -> memref<1x50x128xi32, #tpu.memory_space<hbm>>
      %dma_start3A_63 = tpu.memref_squeeze %dma_start3A_62 : memref<1x50x128xi32, #tpu.memory_space<hbm>> -> memref<50x128xi32, #tpu.memory_space<hbm>>
      %dma_start3A_64 = arith.constant 0 : i32
      %dma_start3A_65 = arith.constant 0 : i32
      %dma_start3A_66 = tpu.memref_slice %arg2[%add3A, %dma_start3A_64, %dma_start3A_65] : memref<32x50x128xi32, #tpu.memory_space<hbm>> -> memref<1x50x128xi32, #tpu.memory_space<hbm>>
      %dma_start3A_67 = tpu.memref_squeeze %dma_start3A_66 : memref<1x50x128xi32, #tpu.memory_space<hbm>> -> memref<50x128xi32, #tpu.memory_space<hbm>>
      tpu.enqueue_dma source(%dma_start3A_67 : memref<50x128xi32, #tpu.memory_space<hbm>>) target(%arg5 : memref<50x128xi32, #tpu.memory_space<vmem>>) target_semaphore(%run_scoped3A : memref<!tpu.dma_semaphore, #tpu.memory_space<semaphore_mem>>)
      %dma_wait3A_68 = arith.constant 0 : i32
      %dma_wait3A_69 = arith.constant 0 : i32
      %dma_wait3A_70 = tpu.memref_slice %arg2[%add3A, %dma_wait3A_68, %dma_wait3A_69] : memref<32x50x128xi32, #tpu.memory_space<hbm>> -> memref<1x50x128xi32, #tpu.memory_space<hbm>>
      %dma_wait3A_71 = tpu.memref_squeeze %dma_wait3A_70 : memref<1x50x128xi32, #tpu.memory_space<hbm>> -> memref<50x128xi32, #tpu.memory_space<hbm>>
      %dma_wait3A_72 = arith.constant 0 : i32
      %dma_wait3A_73 = arith.constant 0 : i32
      %dma_wait3A_74 = tpu.memref_slice %arg2[%add3A, %dma_wait3A_72, %dma_wait3A_73] : memref<32x50x128xi32, #tpu.memory_space<hbm>> -> memref<1x50x128xi32, #tpu.memory_space<hbm>>
      %dma_wait3A_75 = tpu.memref_squeeze %dma_wait3A_74 : memref<1x50x128xi32, #tpu.memory_space<hbm>> -> memref<50x128xi32, #tpu.memory_space<hbm>>
      tpu.wait_dma2 semaphore(%run_scoped3A : memref<!tpu.dma_semaphore, #tpu.memory_space<semaphore_mem>>) src(%dma_wait3A_75 : memref<50x128xi32, #tpu.memory_space<hbm>>) dst(%arg5 : memref<50x128xi32, #tpu.memory_space<vmem>>)
      tpu.yield
    }) : () -> ()
    %dma_start3A = arith.constant 0 : i32
    %dma_start3A_3 = arith.constant 0 : i32
    %dma_start3A_4 = tpu.memref_slice %arg5[%dma_start3A, %dma_start3A_3] : memref<50x128xi32, #tpu.memory_space<vmem>> -> memref<1x128xi32, #tpu.memory_space<vmem>>
    %dma_start3A_5 = tpu.memref_squeeze %dma_start3A_4 : memref<1x128xi32, #tpu.memory_space<vmem>> -> memref<128xi32, #tpu.memory_space<vmem>>
    %dma_start3A_6 = arith.constant 0 : i32
    %dma_start3A_7 = arith.constant 0 : i32
    %dma_start3A_8 = tpu.memref_slice %arg3[%dma_start3A_6, %dma_start3A_7] : memref<100000x128xf32, #tpu.memory_space<hbm>> -> memref<100000x128xf32, #tpu.memory_space<hbm>>
    tpu.enqueue_indirect_dma source(%dma_start3A_8 : memref<100000x128xf32, #tpu.memory_space<hbm>>) target(%arg6 : memref<128x128xf32, #tpu.memory_space<vmem>>) offsets(%dma_start3A_5 : memref<128xi32, #tpu.memory_space<vmem>>) semaphore(%arg11 : memref<!tpu.dma_semaphore, #tpu.memory_space<semaphore_mem>>)
    %dma_start3A_9 = arith.constant 1 : i32
    %dma_start3A_10 = arith.constant 0 : i32
    %dma_start3A_11 = tpu.memref_slice %arg5[%dma_start3A_9, %dma_start3A_10] : memref<50x128xi32, #tpu.memory_space<vmem>> -> memref<1x128xi32, #tpu.memory_space<vmem>>
    %dma_start3A_12 = tpu.memref_squeeze %dma_start3A_11 : memref<1x128xi32, #tpu.memory_space<vmem>> -> memref<128xi32, #tpu.memory_space<vmem>>
    %dma_start3A_13 = arith.constant 0 : i32
    %dma_start3A_14 = arith.constant 0 : i32
    %dma_start3A_15 = tpu.memref_slice %arg3[%dma_start3A_13, %dma_start3A_14] : memref<100000x128xf32, #tpu.memory_space<hbm>> -> memref<100000x128xf32, #tpu.memory_space<hbm>>
    tpu.enqueue_indirect_dma source(%dma_start3A_15 : memref<100000x128xf32, #tpu.memory_space<hbm>>) target(%arg7 : memref<128x128xf32, #tpu.memory_space<vmem>>) offsets(%dma_start3A_12 : memref<128xi32, #tpu.memory_space<vmem>>) semaphore(%arg12 : memref<!tpu.dma_semaphore, #tpu.memory_space<semaphore_mem>>)
    %dma_start3A_16 = arith.constant 2 : i32
    %dma_start3A_17 = arith.constant 0 : i32
    %dma_start3A_18 = tpu.memref_slice %arg5[%dma_start3A_16, %dma_start3A_17] : memref<50x128xi32, #tpu.memory_space<vmem>> -> memref<1x128xi32, #tpu.memory_space<vmem>>
    %dma_start3A_19 = tpu.memref_squeeze %dma_start3A_18 : memref<1x128xi32, #tpu.memory_space<vmem>> -> memref<128xi32, #tpu.memory_space<vmem>>
    %dma_start3A_20 = arith.constant 0 : i32
    %dma_start3A_21 = arith.constant 0 : i32
    %dma_start3A_22 = tpu.memref_slice %arg3[%dma_start3A_20, %dma_start3A_21] : memref<100000x128xf32, #tpu.memory_space<hbm>> -> memref<100000x128xf32, #tpu.memory_space<hbm>>
    tpu.enqueue_indirect_dma source(%dma_start3A_22 : memref<100000x128xf32, #tpu.memory_space<hbm>>) target(%arg8 : memref<128x128xf32, #tpu.memory_space<vmem>>) offsets(%dma_start3A_19 : memref<128xi32, #tpu.memory_space<vmem>>) semaphore(%arg13 : memref<!tpu.dma_semaphore, #tpu.memory_space<semaphore_mem>>)
    %dma_start3A_23 = arith.constant 3 : i32
    %dma_start3A_24 = arith.constant 0 : i32
    %dma_start3A_25 = tpu.memref_slice %arg5[%dma_start3A_23, %dma_start3A_24] : memref<50x128xi32, #tpu.memory_space<vmem>> -> memref<1x128xi32, #tpu.memory_space<vmem>>
    %dma_start3A_26 = tpu.memref_squeeze %dma_start3A_25 : memref<1x128xi32, #tpu.memory_space<vmem>> -> memref<128xi32, #tpu.memory_space<vmem>>
    %dma_start3A_27 = arith.constant 0 : i32
    %dma_start3A_28 = arith.constant 0 : i32
    %dma_start3A_29 = tpu.memref_slice %arg3[%dma_start3A_27, %dma_start3A_28] : memref<100000x128xf32, #tpu.memory_space<hbm>> -> memref<100000x128xf32, #tpu.memory_space<hbm>>
    tpu.enqueue_indirect_dma source(%dma_start3A_29 : memref<100000x128xf32, #tpu.memory_space<hbm>>) target(%arg9 : memref<128x128xf32, #tpu.memory_space<vmem>>) offsets(%dma_start3A_26 : memref<128xi32, #tpu.memory_space<vmem>>) semaphore(%arg14 : memref<!tpu.dma_semaphore, #tpu.memory_space<semaphore_mem>>)
    %dma_start3A_30 = arith.constant 4 : i32
    %dma_start3A_31 = arith.constant 0 : i32
    %dma_start3A_32 = tpu.memref_slice %arg5[%dma_start3A_30, %dma_start3A_31] : memref<50x128xi32, #tpu.memory_space<vmem>> -> memref<1x128xi32, #tpu.memory_space<vmem>>
    %dma_start3A_33 = tpu.memref_squeeze %dma_start3A_32 : memref<1x128xi32, #tpu.memory_space<vmem>> -> memref<128xi32, #tpu.memory_space<vmem>>
    %dma_start3A_34 = arith.constant 0 : i32
    %dma_start3A_35 = arith.constant 0 : i32
    %dma_start3A_36 = tpu.memref_slice %arg3[%dma_start3A_34, %dma_start3A_35] : memref<100000x128xf32, #tpu.memory_space<hbm>> -> memref<100000x128xf32, #tpu.memory_space<hbm>>
    tpu.enqueue_indirect_dma source(%dma_start3A_36 : memref<100000x128xf32, #tpu.memory_space<hbm>>) target(%arg10 : memref<128x128xf32, #tpu.memory_space<vmem>>) offsets(%dma_start3A_33 : memref<128xi32, #tpu.memory_space<vmem>>) semaphore(%arg15 : memref<!tpu.dma_semaphore, #tpu.memory_space<semaphore_mem>>)
    %scan3A = arith.constant 0 : i32
    %scan3A_37 = arith.constant 10 : i32
    %scan3A_38 = arith.addi %scan3A, %scan3A_37 : i32
    %scan3A_39 = arith.constant 1 : i32
    scf.for %scan3A_60 = %scan3A to %scan3A_38 step %scan3A_39  : i32 {
      %mul3A_61 = arith.constant 5 : i32
      %mul3A_62 = arith.muli %scan3A_60, %mul3A_61 : i32
      %add3A_63 = arith.constant 0 : i32
      %add3A_64 = arith.addi %add3A_63, %mul3A_62 : i32
      %add3A_65 = arith.constant 0 : i32
      %add3A_66 = arith.addi %add3A_64, %add3A_65 : i32
      %dma_wait3A_67 = arith.constant 0 : i32
      %dma_wait3A_68 = arith.constant 0 : i32
      %dma_wait3A_69 = tpu.memref_slice %arg5[%dma_wait3A_67, %dma_wait3A_68] : memref<50x128xi32, #tpu.memory_space<vmem>> -> memref<1x128xi32, #tpu.memory_space<vmem>>
      %dma_wait3A_70 = tpu.memref_squeeze %dma_wait3A_69 : memref<1x128xi32, #tpu.memory_space<vmem>> -> memref<128xi32, #tpu.memory_space<vmem>>
      %dma_wait3A_71 = arith.constant 0 : i32
      %dma_wait3A_72 = arith.constant 0 : i32
      %dma_wait3A_73 = tpu.memref_slice %arg3[%dma_wait3A_71, %dma_wait3A_72] : memref<100000x128xf32, #tpu.memory_space<hbm>> -> memref<100000x128xf32, #tpu.memory_space<hbm>>
      tpu.wait_indirect_dma semaphore(%arg11 : memref<!tpu.dma_semaphore, #tpu.memory_space<semaphore_mem>>) src(%dma_wait3A_73 : memref<100000x128xf32, #tpu.memory_space<hbm>>) dst(%arg6 : memref<128x128xf32, #tpu.memory_space<vmem>>)
      %mul3A_74 = arith.constant 128 : i32
      %mul3A_75 = arith.muli %add3A_66, %mul3A_74 : i32
      %add3A_76 = arith.addi %mul3A_2, %mul3A_75 : i32
      %dma_start3A_77 = arith.constant 0 : i32
      %dma_start3A_78 = tpu.memref_slice %arg4[%add3A_76, %dma_start3A_77] : memref<204800x128xf32, #tpu.memory_space<hbm>> -> memref<128x128xf32, #tpu.memory_space<hbm>>
      %dma_start3A_79 = arith.constant 0 : i32
      %dma_start3A_80 = tpu.memref_slice %arg4[%add3A_76, %dma_start3A_79] : memref<204800x128xf32, #tpu.memory_space<hbm>> -> memref<128x128xf32, #tpu.memory_space<hbm>>
      tpu.enqueue_dma source(%arg6 : memref<128x128xf32, #tpu.memory_space<vmem>>) target(%dma_start3A_80 : memref<128x128xf32, #tpu.memory_space<hbm>>) target_semaphore(%arg16 : memref<!tpu.dma_semaphore, #tpu.memory_space<semaphore_mem>>)
      %add3A_81 = arith.constant 5 : i32
      %add3A_82 = arith.addi %add3A_66, %add3A_81 : i32
      %lt3A = arith.constant 50 : i32
      %lt3A_83 = arith.cmpi slt, %add3A_82, %lt3A : i32
      %convert_element_type3A = arith.extui %lt3A_83 : i1 to i32
      %cond3A = arith.constant 0 : i32
      %cond3A_84 = arith.cmpi ne, %convert_element_type3A, %cond3A : i32
      scf.if %cond3A_84 {
        %dma_wait3A_177 = arith.constant 0 : i32
        %dma_wait3A_178 = tpu.memref_slice %arg4[%mul3A_2, %dma_wait3A_177] : memref<204800x128xf32, #tpu.memory_space<hbm>> -> memref<128x128xf32, #tpu.memory_space<hbm>>
        %dma_wait3A_179 = arith.constant 0 : i32
        %dma_wait3A_180 = tpu.memref_slice %arg4[%mul3A_2, %dma_wait3A_179] : memref<204800x128xf32, #tpu.memory_space<hbm>> -> memref<128x128xf32, #tpu.memory_space<hbm>>
        tpu.wait_dma2 semaphore(%arg16 : memref<!tpu.dma_semaphore, #tpu.memory_space<semaphore_mem>>) src(%arg6 : memref<128x128xf32, #tpu.memory_space<vmem>>) dst(%dma_wait3A_180 : memref<128x128xf32, #tpu.memory_space<hbm>>)
        %add3A_181 = arith.constant 5 : i32
        %add3A_182 = arith.addi %add3A_66, %add3A_181 : i32
        %dma_start3A_183 = arith.constant 0 : i32
        %dma_start3A_184 = tpu.memref_slice %arg5[%add3A_182, %dma_start3A_183] : memref<50x128xi32, #tpu.memory_space<vmem>> -> memref<1x128xi32, #tpu.memory_space<vmem>>
        %dma_start3A_185 = tpu.memref_squeeze %dma_start3A_184 : memref<1x128xi32, #tpu.memory_space<vmem>> -> memref<128xi32, #tpu.memory_space<vmem>>
        %dma_start3A_186 = arith.constant 0 : i32
        %dma_start3A_187 = arith.constant 0 : i32
        %dma_start3A_188 = tpu.memref_slice %arg3[%dma_start3A_186, %dma_start3A_187] : memref<100000x128xf32, #tpu.memory_space<hbm>> -> memref<100000x128xf32, #tpu.memory_space<hbm>>
        tpu.enqueue_indirect_dma source(%dma_start3A_188 : memref<100000x128xf32, #tpu.memory_space<hbm>>) target(%arg6 : memref<128x128xf32, #tpu.memory_space<vmem>>) offsets(%dma_start3A_185 : memref<128xi32, #tpu.memory_space<vmem>>) semaphore(%arg11 : memref<!tpu.dma_semaphore, #tpu.memory_space<semaphore_mem>>)
      } else {
      }
      %add3A_85 = arith.constant 1 : i32
      %add3A_86 = arith.addi %add3A_64, %add3A_85 : i32
      %dma_wait3A_87 = arith.constant 0 : i32
      %dma_wait3A_88 = arith.constant 0 : i32
      %dma_wait3A_89 = tpu.memref_slice %arg5[%dma_wait3A_87, %dma_wait3A_88] : memref<50x128xi32, #tpu.memory_space<vmem>> -> memref<1x128xi32, #tpu.memory_space<vmem>>
      %dma_wait3A_90 = tpu.memref_squeeze %dma_wait3A_89 : memref<1x128xi32, #tpu.memory_space<vmem>> -> memref<128xi32, #tpu.memory_space<vmem>>
      %dma_wait3A_91 = arith.constant 0 : i32
      %dma_wait3A_92 = arith.constant 0 : i32
      %dma_wait3A_93 = tpu.memref_slice %arg3[%dma_wait3A_91, %dma_wait3A_92] : memref<100000x128xf32, #tpu.memory_space<hbm>> -> memref<100000x128xf32, #tpu.memory_space<hbm>>
      tpu.wait_indirect_dma semaphore(%arg12 : memref<!tpu.dma_semaphore, #tpu.memory_space<semaphore_mem>>) src(%dma_wait3A_93 : memref<100000x128xf32, #tpu.memory_space<hbm>>) dst(%arg7 : memref<128x128xf32, #tpu.memory_space<vmem>>)
      %mul3A_94 = arith.constant 128 : i32
      %mul3A_95 = arith.muli %add3A_86, %mul3A_94 : i32
      %add3A_96 = arith.addi %mul3A_2, %mul3A_95 : i32
      %dma_start3A_97 = arith.constant 0 : i32
      %dma_start3A_98 = tpu.memref_slice %arg4[%add3A_96, %dma_start3A_97] : memref<204800x128xf32, #tpu.memory_space<hbm>> -> memref<128x128xf32, #tpu.memory_space<hbm>>
      %dma_start3A_99 = arith.constant 0 : i32
      %dma_start3A_100 = tpu.memref_slice %arg4[%add3A_96, %dma_start3A_99] : memref<204800x128xf32, #tpu.memory_space<hbm>> -> memref<128x128xf32, #tpu.memory_space<hbm>>
      tpu.enqueue_dma source(%arg7 : memref<128x128xf32, #tpu.memory_space<vmem>>) target(%dma_start3A_100 : memref<128x128xf32, #tpu.memory_space<hbm>>) target_semaphore(%arg17 : memref<!tpu.dma_semaphore, #tpu.memory_space<semaphore_mem>>)
      %add3A_101 = arith.constant 5 : i32
      %add3A_102 = arith.addi %add3A_86, %add3A_101 : i32
      %lt3A_103 = arith.constant 50 : i32
      %lt3A_104 = arith.cmpi slt, %add3A_102, %lt3A_103 : i32
      %convert_element_type3A_105 = arith.extui %lt3A_104 : i1 to i32
      %cond3A_106 = arith.constant 0 : i32
      %cond3A_107 = arith.cmpi ne, %convert_element_type3A_105, %cond3A_106 : i32
      scf.if %cond3A_107 {
        %dma_wait3A_177 = arith.constant 0 : i32
        %dma_wait3A_178 = tpu.memref_slice %arg4[%mul3A_2, %dma_wait3A_177] : memref<204800x128xf32, #tpu.memory_space<hbm>> -> memref<128x128xf32, #tpu.memory_space<hbm>>
        %dma_wait3A_179 = arith.constant 0 : i32
        %dma_wait3A_180 = tpu.memref_slice %arg4[%mul3A_2, %dma_wait3A_179] : memref<204800x128xf32, #tpu.memory_space<hbm>> -> memref<128x128xf32, #tpu.memory_space<hbm>>
        tpu.wait_dma2 semaphore(%arg17 : memref<!tpu.dma_semaphore, #tpu.memory_space<semaphore_mem>>) src(%arg7 : memref<128x128xf32, #tpu.memory_space<vmem>>) dst(%dma_wait3A_180 : memref<128x128xf32, #tpu.memory_space<hbm>>)
        %add3A_181 = arith.constant 5 : i32
        %add3A_182 = arith.addi %add3A_86, %add3A_181 : i32
        %dma_start3A_183 = arith.constant 0 : i32
        %dma_start3A_184 = tpu.memref_slice %arg5[%add3A_182, %dma_start3A_183] : memref<50x128xi32, #tpu.memory_space<vmem>> -> memref<1x128xi32, #tpu.memory_space<vmem>>
        %dma_start3A_185 = tpu.memref_squeeze %dma_start3A_184 : memref<1x128xi32, #tpu.memory_space<vmem>> -> memref<128xi32, #tpu.memory_space<vmem>>
        %dma_start3A_186 = arith.constant 0 : i32
        %dma_start3A_187 = arith.constant 0 : i32
        %dma_start3A_188 = tpu.memref_slice %arg3[%dma_start3A_186, %dma_start3A_187] : memref<100000x128xf32, #tpu.memory_space<hbm>> -> memref<100000x128xf32, #tpu.memory_space<hbm>>
        tpu.enqueue_indirect_dma source(%dma_start3A_188 : memref<100000x128xf32, #tpu.memory_space<hbm>>) target(%arg7 : memref<128x128xf32, #tpu.memory_space<vmem>>) offsets(%dma_start3A_185 : memref<128xi32, #tpu.memory_space<vmem>>) semaphore(%arg12 : memref<!tpu.dma_semaphore, #tpu.memory_space<semaphore_mem>>)
      } else {
      }
      %add3A_108 = arith.constant 2 : i32
      %add3A_109 = arith.addi %add3A_64, %add3A_108 : i32
      %dma_wait3A_110 = arith.constant 0 : i32
      %dma_wait3A_111 = arith.constant 0 : i32
      %dma_wait3A_112 = tpu.memref_slice %arg5[%dma_wait3A_110, %dma_wait3A_111] : memref<50x128xi32, #tpu.memory_space<vmem>> -> memref<1x128xi32, #tpu.memory_space<vmem>>
      %dma_wait3A_113 = tpu.memref_squeeze %dma_wait3A_112 : memref<1x128xi32, #tpu.memory_space<vmem>> -> memref<128xi32, #tpu.memory_space<vmem>>
      %dma_wait3A_114 = arith.constant 0 : i32
      %dma_wait3A_115 = arith.constant 0 : i32
      %dma_wait3A_116 = tpu.memref_slice %arg3[%dma_wait3A_114, %dma_wait3A_115] : memref<100000x128xf32, #tpu.memory_space<hbm>> -> memref<100000x128xf32, #tpu.memory_space<hbm>>
      tpu.wait_indirect_dma semaphore(%arg13 : memref<!tpu.dma_semaphore, #tpu.memory_space<semaphore_mem>>) src(%dma_wait3A_116 : memref<100000x128xf32, #tpu.memory_space<hbm>>) dst(%arg8 : memref<128x128xf32, #tpu.memory_space<vmem>>)
      %mul3A_117 = arith.constant 128 : i32
      %mul3A_118 = arith.muli %add3A_109, %mul3A_117 : i32
      %add3A_119 = arith.addi %mul3A_2, %mul3A_118 : i32
      %dma_start3A_120 = arith.constant 0 : i32
      %dma_start3A_121 = tpu.memref_slice %arg4[%add3A_119, %dma_start3A_120] : memref<204800x128xf32, #tpu.memory_space<hbm>> -> memref<128x128xf32, #tpu.memory_space<hbm>>
      %dma_start3A_122 = arith.constant 0 : i32
      %dma_start3A_123 = tpu.memref_slice %arg4[%add3A_119, %dma_start3A_122] : memref<204800x128xf32, #tpu.memory_space<hbm>> -> memref<128x128xf32, #tpu.memory_space<hbm>>
      tpu.enqueue_dma source(%arg8 : memref<128x128xf32, #tpu.memory_space<vmem>>) target(%dma_start3A_123 : memref<128x128xf32, #tpu.memory_space<hbm>>) target_semaphore(%arg18 : memref<!tpu.dma_semaphore, #tpu.memory_space<semaphore_mem>>)
      %add3A_124 = arith.constant 5 : i32
      %add3A_125 = arith.addi %add3A_109, %add3A_124 : i32
      %lt3A_126 = arith.constant 50 : i32
      %lt3A_127 = arith.cmpi slt, %add3A_125, %lt3A_126 : i32
      %convert_element_type3A_128 = arith.extui %lt3A_127 : i1 to i32
      %cond3A_129 = arith.constant 0 : i32
      %cond3A_130 = arith.cmpi ne, %convert_element_type3A_128, %cond3A_129 : i32
      scf.if %cond3A_130 {
        %dma_wait3A_177 = arith.constant 0 : i32
        %dma_wait3A_178 = tpu.memref_slice %arg4[%mul3A_2, %dma_wait3A_177] : memref<204800x128xf32, #tpu.memory_space<hbm>> -> memref<128x128xf32, #tpu.memory_space<hbm>>
        %dma_wait3A_179 = arith.constant 0 : i32
        %dma_wait3A_180 = tpu.memref_slice %arg4[%mul3A_2, %dma_wait3A_179] : memref<204800x128xf32, #tpu.memory_space<hbm>> -> memref<128x128xf32, #tpu.memory_space<hbm>>
        tpu.wait_dma2 semaphore(%arg18 : memref<!tpu.dma_semaphore, #tpu.memory_space<semaphore_mem>>) src(%arg8 : memref<128x128xf32, #tpu.memory_space<vmem>>) dst(%dma_wait3A_180 : memref<128x128xf32, #tpu.memory_space<hbm>>)
        %add3A_181 = arith.constant 5 : i32
        %add3A_182 = arith.addi %add3A_109, %add3A_181 : i32
        %dma_start3A_183 = arith.constant 0 : i32
        %dma_start3A_184 = tpu.memref_slice %arg5[%add3A_182, %dma_start3A_183] : memref<50x128xi32, #tpu.memory_space<vmem>> -> memref<1x128xi32, #tpu.memory_space<vmem>>
        %dma_start3A_185 = tpu.memref_squeeze %dma_start3A_184 : memref<1x128xi32, #tpu.memory_space<vmem>> -> memref<128xi32, #tpu.memory_space<vmem>>
        %dma_start3A_186 = arith.constant 0 : i32
        %dma_start3A_187 = arith.constant 0 : i32
        %dma_start3A_188 = tpu.memref_slice %arg3[%dma_start3A_186, %dma_start3A_187] : memref<100000x128xf32, #tpu.memory_space<hbm>> -> memref<100000x128xf32, #tpu.memory_space<hbm>>
        tpu.enqueue_indirect_dma source(%dma_start3A_188 : memref<100000x128xf32, #tpu.memory_space<hbm>>) target(%arg8 : memref<128x128xf32, #tpu.memory_space<vmem>>) offsets(%dma_start3A_185 : memref<128xi32, #tpu.memory_space<vmem>>) semaphore(%arg13 : memref<!tpu.dma_semaphore, #tpu.memory_space<semaphore_mem>>)
      } else {
      }
      %add3A_131 = arith.constant 3 : i32
      %add3A_132 = arith.addi %add3A_64, %add3A_131 : i32
      %dma_wait3A_133 = arith.constant 0 : i32
      %dma_wait3A_134 = arith.constant 0 : i32
      %dma_wait3A_135 = tpu.memref_slice %arg5[%dma_wait3A_133, %dma_wait3A_134] : memref<50x128xi32, #tpu.memory_space<vmem>> -> memref<1x128xi32, #tpu.memory_space<vmem>>
      %dma_wait3A_136 = tpu.memref_squeeze %dma_wait3A_135 : memref<1x128xi32, #tpu.memory_space<vmem>> -> memref<128xi32, #tpu.memory_space<vmem>>
      %dma_wait3A_137 = arith.constant 0 : i32
      %dma_wait3A_138 = arith.constant 0 : i32
      %dma_wait3A_139 = tpu.memref_slice %arg3[%dma_wait3A_137, %dma_wait3A_138] : memref<100000x128xf32, #tpu.memory_space<hbm>> -> memref<100000x128xf32, #tpu.memory_space<hbm>>
      tpu.wait_indirect_dma semaphore(%arg14 : memref<!tpu.dma_semaphore, #tpu.memory_space<semaphore_mem>>) src(%dma_wait3A_139 : memref<100000x128xf32, #tpu.memory_space<hbm>>) dst(%arg9 : memref<128x128xf32, #tpu.memory_space<vmem>>)
      %mul3A_140 = arith.constant 128 : i32
      %mul3A_141 = arith.muli %add3A_132, %mul3A_140 : i32
      %add3A_142 = arith.addi %mul3A_2, %mul3A_141 : i32
      %dma_start3A_143 = arith.constant 0 : i32
      %dma_start3A_144 = tpu.memref_slice %arg4[%add3A_142, %dma_start3A_143] : memref<204800x128xf32, #tpu.memory_space<hbm>> -> memref<128x128xf32, #tpu.memory_space<hbm>>
      %dma_start3A_145 = arith.constant 0 : i32
      %dma_start3A_146 = tpu.memref_slice %arg4[%add3A_142, %dma_start3A_145] : memref<204800x128xf32, #tpu.memory_space<hbm>> -> memref<128x128xf32, #tpu.memory_space<hbm>>
      tpu.enqueue_dma source(%arg9 : memref<128x128xf32, #tpu.memory_space<vmem>>) target(%dma_start3A_146 : memref<128x128xf32, #tpu.memory_space<hbm>>) target_semaphore(%arg19 : memref<!tpu.dma_semaphore, #tpu.memory_space<semaphore_mem>>)
      %add3A_147 = arith.constant 5 : i32
      %add3A_148 = arith.addi %add3A_132, %add3A_147 : i32
      %lt3A_149 = arith.constant 50 : i32
      %lt3A_150 = arith.cmpi slt, %add3A_148, %lt3A_149 : i32
      %convert_element_type3A_151 = arith.extui %lt3A_150 : i1 to i32
      %cond3A_152 = arith.constant 0 : i32
      %cond3A_153 = arith.cmpi ne, %convert_element_type3A_151, %cond3A_152 : i32
      scf.if %cond3A_153 {
        %dma_wait3A_177 = arith.constant 0 : i32
        %dma_wait3A_178 = tpu.memref_slice %arg4[%mul3A_2, %dma_wait3A_177] : memref<204800x128xf32, #tpu.memory_space<hbm>> -> memref<128x128xf32, #tpu.memory_space<hbm>>
        %dma_wait3A_179 = arith.constant 0 : i32
        %dma_wait3A_180 = tpu.memref_slice %arg4[%mul3A_2, %dma_wait3A_179] : memref<204800x128xf32, #tpu.memory_space<hbm>> -> memref<128x128xf32, #tpu.memory_space<hbm>>
        tpu.wait_dma2 semaphore(%arg19 : memref<!tpu.dma_semaphore, #tpu.memory_space<semaphore_mem>>) src(%arg9 : memref<128x128xf32, #tpu.memory_space<vmem>>) dst(%dma_wait3A_180 : memref<128x128xf32, #tpu.memory_space<hbm>>)
        %add3A_181 = arith.constant 5 : i32
        %add3A_182 = arith.addi %add3A_132, %add3A_181 : i32
        %dma_start3A_183 = arith.constant 0 : i32
        %dma_start3A_184 = tpu.memref_slice %arg5[%add3A_182, %dma_start3A_183] : memref<50x128xi32, #tpu.memory_space<vmem>> -> memref<1x128xi32, #tpu.memory_space<vmem>>
        %dma_start3A_185 = tpu.memref_squeeze %dma_start3A_184 : memref<1x128xi32, #tpu.memory_space<vmem>> -> memref<128xi32, #tpu.memory_space<vmem>>
        %dma_start3A_186 = arith.constant 0 : i32
        %dma_start3A_187 = arith.constant 0 : i32
        %dma_start3A_188 = tpu.memref_slice %arg3[%dma_start3A_186, %dma_start3A_187] : memref<100000x128xf32, #tpu.memory_space<hbm>> -> memref<100000x128xf32, #tpu.memory_space<hbm>>
        tpu.enqueue_indirect_dma source(%dma_start3A_188 : memref<100000x128xf32, #tpu.memory_space<hbm>>) target(%arg9 : memref<128x128xf32, #tpu.memory_space<vmem>>) offsets(%dma_start3A_185 : memref<128xi32, #tpu.memory_space<vmem>>) semaphore(%arg14 : memref<!tpu.dma_semaphore, #tpu.memory_space<semaphore_mem>>)
      } else {
      }
      %add3A_154 = arith.constant 4 : i32
      %add3A_155 = arith.addi %add3A_64, %add3A_154 : i32
      %dma_wait3A_156 = arith.constant 0 : i32
      %dma_wait3A_157 = arith.constant 0 : i32
      %dma_wait3A_158 = tpu.memref_slice %arg5[%dma_wait3A_156, %dma_wait3A_157] : memref<50x128xi32, #tpu.memory_space<vmem>> -> memref<1x128xi32, #tpu.memory_space<vmem>>
      %dma_wait3A_159 = tpu.memref_squeeze %dma_wait3A_158 : memref<1x128xi32, #tpu.memory_space<vmem>> -> memref<128xi32, #tpu.memory_space<vmem>>
      %dma_wait3A_160 = arith.constant 0 : i32
      %dma_wait3A_161 = arith.constant 0 : i32
      %dma_wait3A_162 = tpu.memref_slice %arg3[%dma_wait3A_160, %dma_wait3A_161] : memref<100000x128xf32, #tpu.memory_space<hbm>> -> memref<100000x128xf32, #tpu.memory_space<hbm>>
      tpu.wait_indirect_dma semaphore(%arg15 : memref<!tpu.dma_semaphore, #tpu.memory_space<semaphore_mem>>) src(%dma_wait3A_162 : memref<100000x128xf32, #tpu.memory_space<hbm>>) dst(%arg10 : memref<128x128xf32, #tpu.memory_space<vmem>>)
      %mul3A_163 = arith.constant 128 : i32
      %mul3A_164 = arith.muli %add3A_155, %mul3A_163 : i32
      %add3A_165 = arith.addi %mul3A_2, %mul3A_164 : i32
      %dma_start3A_166 = arith.constant 0 : i32
      %dma_start3A_167 = tpu.memref_slice %arg4[%add3A_165, %dma_start3A_166] : memref<204800x128xf32, #tpu.memory_space<hbm>> -> memref<128x128xf32, #tpu.memory_space<hbm>>
      %dma_start3A_168 = arith.constant 0 : i32
      %dma_start3A_169 = tpu.memref_slice %arg4[%add3A_165, %dma_start3A_168] : memref<204800x128xf32, #tpu.memory_space<hbm>> -> memref<128x128xf32, #tpu.memory_space<hbm>>
      tpu.enqueue_dma source(%arg10 : memref<128x128xf32, #tpu.memory_space<vmem>>) target(%dma_start3A_169 : memref<128x128xf32, #tpu.memory_space<hbm>>) target_semaphore(%arg20 : memref<!tpu.dma_semaphore, #tpu.memory_space<semaphore_mem>>)
      %add3A_170 = arith.constant 5 : i32
      %add3A_171 = arith.addi %add3A_155, %add3A_170 : i32
      %lt3A_172 = arith.constant 50 : i32
      %lt3A_173 = arith.cmpi slt, %add3A_171, %lt3A_172 : i32
      %convert_element_type3A_174 = arith.extui %lt3A_173 : i1 to i32
      %cond3A_175 = arith.constant 0 : i32
      %cond3A_176 = arith.cmpi ne, %convert_element_type3A_174, %cond3A_175 : i32
      scf.if %cond3A_176 {
        %dma_wait3A_177 = arith.constant 0 : i32
        %dma_wait3A_178 = tpu.memref_slice %arg4[%mul3A_2, %dma_wait3A_177] : memref<204800x128xf32, #tpu.memory_space<hbm>> -> memref<128x128xf32, #tpu.memory_space<hbm>>
        %dma_wait3A_179 = arith.constant 0 : i32
        %dma_wait3A_180 = tpu.memref_slice %arg4[%mul3A_2, %dma_wait3A_179] : memref<204800x128xf32, #tpu.memory_space<hbm>> -> memref<128x128xf32, #tpu.memory_space<hbm>>
        tpu.wait_dma2 semaphore(%arg20 : memref<!tpu.dma_semaphore, #tpu.memory_space<semaphore_mem>>) src(%arg10 : memref<128x128xf32, #tpu.memory_space<vmem>>) dst(%dma_wait3A_180 : memref<128x128xf32, #tpu.memory_space<hbm>>)
        %add3A_181 = arith.constant 5 : i32
        %add3A_182 = arith.addi %add3A_155, %add3A_181 : i32
        %dma_start3A_183 = arith.constant 0 : i32
        %dma_start3A_184 = tpu.memref_slice %arg5[%add3A_182, %dma_start3A_183] : memref<50x128xi32, #tpu.memory_space<vmem>> -> memref<1x128xi32, #tpu.memory_space<vmem>>
        %dma_start3A_185 = tpu.memref_squeeze %dma_start3A_184 : memref<1x128xi32, #tpu.memory_space<vmem>> -> memref<128xi32, #tpu.memory_space<vmem>>
        %dma_start3A_186 = arith.constant 0 : i32
        %dma_start3A_187 = arith.constant 0 : i32
        %dma_start3A_188 = tpu.memref_slice %arg3[%dma_start3A_186, %dma_start3A_187] : memref<100000x128xf32, #tpu.memory_space<hbm>> -> memref<100000x128xf32, #tpu.memory_space<hbm>>
        tpu.enqueue_indirect_dma source(%dma_start3A_188 : memref<100000x128xf32, #tpu.memory_space<hbm>>) target(%arg10 : memref<128x128xf32, #tpu.memory_space<vmem>>) offsets(%dma_start3A_185 : memref<128xi32, #tpu.memory_space<vmem>>) semaphore(%arg15 : memref<!tpu.dma_semaphore, #tpu.memory_space<semaphore_mem>>)
      } else {
      }
    }
    %scan3A_40 = arith.constant 10 : i32
    %dma_wait3A = arith.constant 0 : i32
    %dma_wait3A_41 = tpu.memref_slice %arg4[%mul3A_2, %dma_wait3A] : memref<204800x128xf32, #tpu.memory_space<hbm>> -> memref<128x128xf32, #tpu.memory_space<hbm>>
    %dma_wait3A_42 = arith.constant 0 : i32
    %dma_wait3A_43 = tpu.memref_slice %arg4[%mul3A_2, %dma_wait3A_42] : memref<204800x128xf32, #tpu.memory_space<hbm>> -> memref<128x128xf32, #tpu.memory_space<hbm>>
    tpu.wait_dma2 semaphore(%arg16 : memref<!tpu.dma_semaphore, #tpu.memory_space<semaphore_mem>>) src(%arg6 : memref<128x128xf32, #tpu.memory_space<vmem>>) dst(%dma_wait3A_43 : memref<128x128xf32, #tpu.memory_space<hbm>>)
    %dma_wait3A_44 = arith.constant 0 : i32
    %dma_wait3A_45 = tpu.memref_slice %arg4[%mul3A_2, %dma_wait3A_44] : memref<204800x128xf32, #tpu.memory_space<hbm>> -> memref<128x128xf32, #tpu.memory_space<hbm>>
    %dma_wait3A_46 = arith.constant 0 : i32
    %dma_wait3A_47 = tpu.memref_slice %arg4[%mul3A_2, %dma_wait3A_46] : memref<204800x128xf32, #tpu.memory_space<hbm>> -> memref<128x128xf32, #tpu.memory_space<hbm>>
    tpu.wait_dma2 semaphore(%arg17 : memref<!tpu.dma_semaphore, #tpu.memory_space<semaphore_mem>>) src(%arg7 : memref<128x128xf32, #tpu.memory_space<vmem>>) dst(%dma_wait3A_47 : memref<128x128xf32, #tpu.memory_space<hbm>>)
    %dma_wait3A_48 = arith.constant 0 : i32
    %dma_wait3A_49 = tpu.memref_slice %arg4[%mul3A_2, %dma_wait3A_48] : memref<204800x128xf32, #tpu.memory_space<hbm>> -> memref<128x128xf32, #tpu.memory_space<hbm>>
    %dma_wait3A_50 = arith.constant 0 : i32
    %dma_wait3A_51 = tpu.memref_slice %arg4[%mul3A_2, %dma_wait3A_50] : memref<204800x128xf32, #tpu.memory_space<hbm>> -> memref<128x128xf32, #tpu.memory_space<hbm>>
    tpu.wait_dma2 semaphore(%arg18 : memref<!tpu.dma_semaphore, #tpu.memory_space<semaphore_mem>>) src(%arg8 : memref<128x128xf32, #tpu.memory_space<vmem>>) dst(%dma_wait3A_51 : memref<128x128xf32, #tpu.memory_space<hbm>>)
    %dma_wait3A_52 = arith.constant 0 : i32
    %dma_wait3A_53 = tpu.memref_slice %arg4[%mul3A_2, %dma_wait3A_52] : memref<204800x128xf32, #tpu.memory_space<hbm>> -> memref<128x128xf32, #tpu.memory_space<hbm>>
    %dma_wait3A_54 = arith.constant 0 : i32
    %dma_wait3A_55 = tpu.memref_slice %arg4[%mul3A_2, %dma_wait3A_54] : memref<204800x128xf32, #tpu.memory_space<hbm>> -> memref<128x128xf32, #tpu.memory_space<hbm>>
    tpu.wait_dma2 semaphore(%arg19 : memref<!tpu.dma_semaphore, #tpu.memory_space<semaphore_mem>>) src(%arg9 : memref<128x128xf32, #tpu.memory_space<vmem>>) dst(%dma_wait3A_55 : memref<128x128xf32, #tpu.memory_space<hbm>>)
    %dma_wait3A_56 = arith.constant 0 : i32
    %dma_wait3A_57 = tpu.memref_slice %arg4[%mul3A_2, %dma_wait3A_56] : memref<204800x128xf32, #tpu.memory_space<hbm>> -> memref<128x128xf32, #tpu.memory_space<hbm>>
    %dma_wait3A_58 = arith.constant 0 : i32
    %dma_wait3A_59 = tpu.memref_slice %arg4[%mul3A_2, %dma_wait3A_58] : memref<204800x128xf32, #tpu.memory_space<hbm>> -> memref<128x128xf32, #tpu.memory_space<hbm>>
    tpu.wait_dma2 semaphore(%arg20 : memref<!tpu.dma_semaphore, #tpu.memory_space<semaphore_mem>>) src(%arg10 : memref<128x128xf32, #tpu.memory_space<vmem>>) dst(%dma_wait3A_59 : memref<128x128xf32, #tpu.memory_space<hbm>>)
    return
  }
}

</mosaic_0001>

<sc_bundles>
// kernel: kernel.3.cloned.1.call-start
scs
__scs_entry_jumppad:
0x0: {  	(pc) =	sbr.rel $0x88, $3  }
0x1: {  	(tag) =	ssettag $0x0;
	lr =	simm.s32 $0x1  }
0x2: {  	[smem:$0x3F9F] =	sst lr;
	_ =	strace $0xD0000000  }
0x3: {  	_ = 	snop  }
0x4: {  	_ = 	snop  }
0x5: {  	_ = 	snop  }
0x6: {  	_ = 	snop  }
0x7: {  	_ = 	snop  }
__scs_overlays_trampoline_lowered:
0x8: {  	[smem:$0x3FAE] =	sst s0  }
0x9: {  	[smem:$0x3FAF] =	sst s1  }
0xa: {  	[smem:$0x3FB0] =	sst s2  }
0xb: {  	[smem:$0x3FB1] =	sst s3  }
0xc: {  	[smem:$0x3FB2] =	sst s4  }
0xd: {  	[smem:$0x3FB3] =	sst s5  }
0xe: {  	[smem:$0x3FB4] =	sst s6  }
0xf: {  	[smem:$0x3FB5] =	sst s7  }
0x10: {  	[smem:$0x3FB6] =	sst s8  }
0x11: {  	[smem:$0x3FB7] =	sst s9;
	s0 =	simm.s32 @!p0 $0x0  }
0x12: {  	s1 =	sld [smem:$0x3F9D];
	s0 =	simm.s32 @p0 $0x1  }
0x13: {  	[smem:$0x3FB8] =	sst s0;
	s0 =	simm.s32 @!p1 $0x0  }
0x14: {  	s2 =	sld [smem:$0x3F9C];
	s0 =	simm.s32 @p1 $0x1  }
0x15: {  	[smem:$0x3FB9] =	sst s0;
	s0 =	simm.s32 @!p2 $0x0  }
0x16: {  	s3 =	sld [smem:$0x3FDB];
	s0 =	simm.s32 @p2 $0x1  }
0x17: {  	s4 =	simm.s32 $0x1BF5;
	[smem:$0x3FBB] =	sst s0  }
0x18: {  	s0 =	sld [smem:$0x3F9E];
	_ =	swait.ge [sflag:s4], $0x0  }
0x19: {  	s7 =	sld [smem:$0x3F9F]  }
0x1a: {  	s8 =	sadd.s32 $0xFFFFE003, lr  }
0x1b: {  	s9 =	sadd.s32 $0xFFFFFEF7, lr;
	s5 =	simm.s32 $0xFFFFFFFF;
	p2 =	slt.u32 s8, $0xFFFFF086  }
0x1c: {  	p1 =	slt.u32 s9, $0xF7A;
	s5 =	simm.s32 @!p2 $0x0  }
0x1d: {  	s5 =	simm.s32 @p1 $0x1;
	p0 =	seq.s32 s7, s2  }
0x1e: {  	s7 =	smul.u32 @!p0 $0xF7A, s2;
	p2 =	seq.s32 @!p0 s5, $0x0  }
0x1f: {  	s9 =	smul.u32 $0xF7A, s1;
	s8 =	simm.s32 @!p0 $0x1BF5;
	p2 =	por !p2, p0  }
0x20: {  	[sflag:s8] =	ssyncset.s32 @!p0 $0xFFFFF086;
	s6 =	sadd.s32 @!p0 s3, s7;
	s7 =	simm.s32 @!p0 $0x108  }
0x21: {  	s3 =	sadd.s32 s3, s9;
	s6 =	sadd.s32 @!p0 $0x88, s6;
	s7 =	simm.s32 @p2 $0x1082  }
0x22: {  	[simem:s7], [sflag:s8] =	dma.local @!p0 [hbm:s6], $0xF7A  }
0x23: {  	s9 =	sor.u32 $0xD0000000, s2;
	s6 =	simm.s32 $0x108;
	_ =	swait.ge @!p0 [sflag:s8], $0x0  }
0x24: {  	s3 =	sadd.s32 $0x88, s3;
	s6 =	simm.s32 @!p1 $0x1082;
	[sflag:s4] =	ssyncset.s32 $0xFFFFF086  }
0x25: {  	[simem:s6], [sflag:s4] =	dma.local [hbm:s3], $0xF7A  }
0x26: {  	[smem:$0x3F9F] =	sst s1;
	(tag) =	ssettag s2;
	_ =	strace s9  }
0x27: {  	s1 =	sld [smem:$0x3FAF]  }
0x28: {  	s2 =	sld [smem:$0x3FB0]  }
0x29: {  	s4 =	sld [smem:$0x3FB2]  }
0x2a: {  	p0 =	seq.s32 s5, $0x0;
	s5 =	sld [smem:$0x3FB3]  }
0x2b: {  	s6 =	sld [smem:$0x3FB4]  }
0x2c: {  	s7 =	sld [smem:$0x3FB5]  }
0x2d: {  	s3 =	simm.s32 $0x108;
	s8 =	sld [smem:$0x3FB6]  }
0x2e: {  	s3 =	simm.s32 @!p0 $0x1082;
	s9 =	sld [smem:$0x3FB7]  }
0x2f: {  	lr =	sadd.s32 s0, s3;
	s0 =	sld [smem:$0x3FAE]  }
0x30: {  	s3 =	sld [smem:$0x3FB1]  }
0x31: {  	[smem:$0x3FBA] =	sst s10  }
0x32: {  	s10 =	sld [smem:$0x3FB8];
	_ =	sdelay $0x3  }
0x33: {  	p0 =	seq.s32 s10, $0x1;
	s10 =	sld [smem:$0x3FBA];
	_ =	sdelay $0x3  }
0x34: {  	[smem:$0x3FBA] =	sst s10  }
0x35: {  	s10 =	sld [smem:$0x3FB9];
	_ =	sdelay $0x3  }
0x36: {  	p1 =	seq.s32 s10, $0x1;
	s10 =	sld [smem:$0x3FBA];
	_ =	sdelay $0x3  }
0x37: {  	[smem:$0x3FBA] =	sst s10  }
0x38: {  	s10 =	sld [smem:$0x3FBB]  }
0x39: {  	_ = 	snop;
	(pc) =	sbr.ind lr, $3  }
0x3a: {  	_ = 	snop  }
0x3b: {  	_ = 	snop  }
0x3c: {  	p2 =	seq.s32 s10, $0x1;
	s10 =	sld [smem:$0x3FBA]  }
0x3d: {  	_ =	shalt  }
0x3e: {  	_ =	shalt  }
0x3f: {  	_ =	shalt  }
0x40: {  	_ =	shalt  }
0x41: {  	_ =	shalt  }
0x42: {  	_ =	shalt  }
0x43: {  	_ =	shalt  }
0x44: {  	_ =	shalt  }
0x45: {  	_ =	shalt  }
0x46: {  	_ =	shalt  }
0x47: {  	_ =	shalt  }
0x48: {  	_ =	shalt  }
0x49: {  	_ =	shalt  }
0x4a: {  	_ =	shalt  }
0x4b: {  	_ =	shalt  }
0x4c: {  	_ =	shalt  }
0x4d: {  	_ =	shalt  }
0x4e: {  	_ =	shalt  }
0x4f: {  	_ =	shalt  }
0x50: {  	_ =	shalt  }
0x51: {  	_ =	shalt  }
0x52: {  	_ =	shalt  }
0x53: {  	_ =	shalt  }
0x54: {  	_ =	shalt  }
0x55: {  	_ =	shalt  }
0x56: {  	_ =	shalt  }
0x57: {  	_ =	shalt  }
0x58: {  	_ =	shalt  }
0x59: {  	_ =	shalt  }
0x5a: {  	_ =	shalt  }
0x5b: {  	_ =	shalt  }
0x5c: {  	_ =	shalt  }
0x5d: {  	_ =	shalt  }
0x5e: {  	_ =	shalt  }
0x5f: {  	_ =	shalt  }
0x60: {  	_ =	shalt  }
0x61: {  	_ =	shalt  }
0x62: {  	_ =	shalt  }
0x63: {  	_ =	shalt  }
0x64: {  	_ =	shalt  }
0x65: {  	_ =	shalt  }
0x66: {  	_ =	shalt  }
0x67: {  	_ =	shalt  }
0x68: {  	_ =	shalt  }
0x69: {  	_ =	shalt  }
0x6a: {  	_ =	shalt  }
0x6b: {  	_ =	shalt  }
0x6c: {  	_ =	shalt  }
0x6d: {  	_ =	shalt  }
0x6e: {  	_ =	shalt  }
0x6f: {  	_ =	shalt  }
0x70: {  	_ =	shalt  }
0x71: {  	_ =	shalt  }
0x72: {  	_ =	shalt  }
0x73: {  	_ =	shalt  }
0x74: {  	_ =	shalt  }
0x75: {  	_ =	shalt  }
0x76: {  	_ =	shalt  }
0x77: {  	_ =	shalt  }
0x78: {  	_ =	shalt  }
0x79: {  	_ =	shalt  }
0x7a: {  	_ =	shalt  }
0x7b: {  	_ =	shalt  }
0x7c: {  	_ =	shalt  }
0x7d: {  	_ =	shalt  }
0x7e: {  	_ =	shalt  }
0x7f: {  	_ =	shalt  }
0x80: {  	_ =	shalt  }
0x81: {  	_ =	shalt  }
0x82: {  	_ =	shalt  }
0x83: {  	_ =	shalt  }
0x84: {  	_ =	shalt  }
0x85: {  	_ =	shalt  }
0x86: {  	_ =	shalt  }
0x87: {  	_ =	shalt  }
.Lfunc_end0:
.L_simem_size_0:
called_computation_lowered:
.L_overlay_start_0:
0x88: {  	s2 =	sld [smem:$0x3FD9]  }
0x89: {  	s3 =	sld [smem:$0x3FFE];
	_ =	sdelay $0x1  }
0x8a: {  	s1 =	srdreg.scid  }
0x8b: {  	s0 =	sand.u32 $0x1, s1  }
0x8c: {  	s17 =	sshll.u32 s0, $0xA;
	s2 =	sadd.s32 s3, s2  }
0x8d: {  	s2 =	sadd.s32 s2, s17  }
0x8e: {  	[smem:$0x3FC6] =	sst s2  }
0x8f: {  	_ = 	snop  }
0x90: {  	s2 =	sld [smem:$0x3FC8]  }
0x91: {  	s18 =	sld [smem:$0x3FD0];
	(tm) =	ssettm $0x1  }
0x92: {  	s4 =	sld [smem:$0x3FFB];
	_ =	sdelay $0x3  }
0x93: {  	_ =	strace s4  }
0x94: {  	s4 =	sld [smem:$0x3FFC];
	_ =	sdelay $0x3  }
0x95: {  	_ =	strace s4  }
0x96: {  	s4 =	sld [smem:$0x3FFD];
	_ =	sdelay $0x3  }
0x97: {  	_ =	strace s4  }
0x98: {  	_ =	strace $0x8FFFFFFF  }
0x99: {  	s19 =	sld [smem:$0x3FDB];
	_ =	sdelay $0x1  }
0x9a: {  	s5 =	simm.s32 $_scs_section_size  }
0x9b: {  	s6 =	simm.s32 $_size__tile_overlayer_lowered;
	s7 =	simm.s32 $_tile_overlayer_lowered  }
0x9c: {  	s22 =	simm.s32 $0x1BFF;
	s21 =	sshll.u32 s7, $0x1;
	s4 =	sadd.s32 s5, s19  }
0x9d: {  	s8 =	simm.s32 $0x0;
	s20 =	sshll.u32 s6, $0x1;
	s6 =	sadd.s32 s21, s4  }
0x9e: {  	[timem:s8], [sflag:s22] =	dma.local [hbm:s6], s20  }
0x9f: {  	_ =	swait.ge [sflag:s22], s20  }
0xa0: {  	s5 =	ssub.s32 $0x0, s20;
	[sflag:s22] =	ssyncset.done $0x0  }
0xa1: {  	[sflag:s22] =	ssyncadd.s32 s5;
	_ =	sdelay $0x1  }
0xa2: {  	s23 =	simm.s32 $0x1B8B  }
0xa3: {  	_ =	swait.ge [sflag:s23], $0x1  }
0xa4: {  	[sflag:s23] =	ssyncset.done $0x0  }
0xa5: {  	s25 =	simm.s32 $0x1B8E;
	s24 =	sld [smem:$0x3FFE];
	[sflag:s23] =	ssyncadd.s32 $0xFFFFFFFF  }
0xa6: {  	s26 =	simm.s32 $execute0_lowered;
	[smem:$0x3FD2] =	sst s25  }
0xa7: {  	s6 =	sshll.u32 s26, $0x1;
	_ =	strace $0x80000046;
	[dreg:$0x1] =	wrdreg $0xFFFFFFFF  }
0xa8: {  	s28 =	simm.s32 $_size_execute0_lowered;
	s4 =	sadd.s32 s4, s6;
	[dreg:$0x0] =	wrdreg $0x0  }
0xa9: {  	s6 =	sshll.u32 s28, $0x1;
	[dreg:$0x2] =	wrdreg s4  }
0xaa: {  	[dreg:$0x3] =	wrdreg s6  }
0xab: {  	[dreg:$0x4] =	wrdreg $0xC0  }
0xac: {  	_ =	task [dreg:s8], $0x5FFFF  }
0xad: {  	[dreg:$0x1] =	wrdreg $0xFFFFFFFF  }
0xae: {  	[dreg:$0x0] =	wrdreg $0x60  }
0xaf: {  	[dreg:$0x2] =	wrdreg s24  }
0xb0: {  	[dreg:$0x3] =	wrdreg s2  }
0xb1: {  	[dreg:$0x4] =	wrdreg s18  }
0xb2: {  	[dreg:$0x5] =	wrdreg $0x9  }
0xb3: {  	_ =	task.clear_ibuf [dreg:s8], $0x6FFFF;
	_ =	strace $0x90000046  }
0xb4: {  	s29 =	simm.s32 $0x9;
	_ =	strace $0x80000048  }
0xb5: {  	_ =	swait.ge [sflag:s29], $0x1  }
0xb6: {  	[sflag:s29] =	ssyncadd.s32 $0xFFFFFFFF  }
0xb7: {  	_ =	strace $0x90000048  }
0xb8: {  	_ =	sfence  }
0xb9: {  	s30 =	sld [smem:$0x0];
	_ =	sdelay $0x2  }
0xba: {  	s31 =	sshll.u32 s1, $0xD;
	s1 =	sshrl.u32 s1, $0x2  }
0xbb: {  	s3 =	sand.u32 $0x4000, s31;
	s1 =	sadd.s32 s1, s30  }
0xbc: {  	s0 =	sor.u32 s3, s0;
	s1 =	sshll.u32 s1, $0x11  }
0xbd: {  	s0 =	sor.u32 s1, s0  }
0xbe: {  	s0 =	sadd.s32 $0x8F2B, s0  }
0xbf: {  	[sflag:s0] =	ssyncadd.remote.s32 $0x1  }
0xc0: {  	_ =	sfence.sel $0xFFFF  }
0xc1: {  	[dreg:$0x0] =	wrdreg $0xFFFFFFFF;
	(pc) =	sbr.abs _section_cstart, $3  }
0xc2: {  	[dreg:$0x1] =	wrdreg $0xFFFFFFFF  }
0xc3: {  	_ =	task.clear_ibuf [dreg:s8], $0x2FFFF;
	_ =	strace $0x9FFFFFFF  }
0xc4: {  	(tm) =	ssettm $0x7FFFFFFF  }
0xc5: {  	_ =	shalt  }
tec
execute0_lowered:
.L_overlay_start_1:
0x0: {  	(tag) =	ssettag $0x1  }
0x1: {  	s4 =	rddreg [dreg:$0x0]  }
0x2: {  	s1 =	srdreg.scid;
	s2 =	rddreg [dreg:$0x1]  }
0x3: {  	s0 =	stileid.u32;
	s6 =	rddreg [dreg:$0x2]  }
0x4: {  	s3 =	simm.s32 $0x0;
	s14 =	simm.s32 $0x9C00;
	s16 =	simm.s32 $0xDC00  }
0x5: {  	s17 =	simm.s32 $0x200;
	s18 =	simm.s32 $0x11C00;
	s19 =	simm.s32 $0x1  }
0x6: {  	s20 =	simm.s32 $0x3;
	s21 =	simm.s32 $0x5;
	s22 =	simm.s32 $0x6  }
0x7: {  	s23 =	simm.s32 $0x7;
	s24 =	simm.s32 $0x8;
	s28 =	simm.s32 $0x0  }
0x8: {  	s5 =	sand.u32 $0x1, s1;
	s25 =	sshll.u32 s0, $0x1;
	s11 =	smul.u32 $0x32000, s0  }
0x9: {  	[smem:$0x7FF] =	sst s3;
	s7 =	sor.u32 s5, s25;
	s29 =	smul.u32 $0x19000, s5  }
0xa: {  	s9 =	ssub.s32 $0x2, s5;
	_ =	strace $0x80000047;
	s8 =	smul.u32 $0x380, s7  }
0xb: {  	s25 =	simm.s32 $0x9;
	s7 =	smul.u32 $0x19000, s7;
	s10 =	sshrl.u32 s9, $0x1  }
.Ltmp0:
0xc: {  	s30 =	sadd.s32 s11, s6;
	s11 =	simm.s32 $0x1C00;
	(pc) =	sbr.rel .LBB2_1-.Ltmp0, $4  }
0xd: {  	s26 =	ssub.s32 s9, s10;
	s31 =	sadd.s32 s29, s30;
	s9 =	simm.s32 $0xB  }
0xe: {  	s10 =	simm.s32 $0x80;
	s4 =	sadd.s32 s8, s4;
	s7 =	sadd.s32 s6, s7  }
0xf: {  	s5 =	smax.u32 s26, $0x1;
	s8 =	sadd.s32 $0x2000, s31;
	s26 =	simm.s32 $0xA  }
0x10: {  	s4 =	sadd.s32 $0x400, s4;
	s6 =	sadd.s32 $0x17000, s7;
	s7 =	sadd.s32 $0x18000, s7  }
.LBB2_4:
0x11: {  	_ =	swait.ge [sflag:s22], $0x4000  }
0x12: {  	[sflag:s22] =	ssyncset.done $0x0  }
0x13: {  	[sflag:s22] =	ssyncadd.s32 $0xFFFFC000  }
0x14: {  	_ =	swait.ge [sflag:s23], $0x4000  }
0x15: {  	[sflag:s23] =	ssyncset.done $0x0  }
0x16: {  	[sflag:s23] =	ssyncadd.s32 $0xFFFFC000  }
0x17: {  	_ =	swait.ge [sflag:s24], $0x4000  }
0x18: {  	[sflag:s24] =	ssyncset.done $0x0  }
0x19: {  	s28 =	sadd.s32 $0x1, s28;
	[sflag:s24] =	ssyncadd.s32 $0xFFFFC000  }
0x1a: {  	p0 =	sne.s32 s28, s5;
	_ =	swait.ge [sflag:s25], $0x4000  }
.Ltmp1:
0x1b: {  	[sflag:s25] =	ssyncset.done $0x0;
	(pc) =	sbr.rel @!p0 .LBB2_5-.Ltmp1, $4  }
0x1c: {  	[sflag:s25] =	ssyncadd.s32 $0xFFFFC000  }
0x1d: {  	_ =	swait.ge [sflag:s26], $0x4000  }
0x1e: {  	[sflag:s26] =	ssyncset.done $0x0  }
0x1f: {  	[sflag:s26] =	ssyncadd.s32 $0xFFFFC000  }
.LBB2_1:
0x20: {  	[tilespmem:s3], [sflag:$0xB] =	stream.linear.gather [hbm4b:s4+s3], $0x1900, $0x38;
	[tilespmem:$0x15C00] =	vst v63  }
0x21: {  	_ =	swait.ge [sflag:s9], $0x1900  }
0x22: {  	[sflag:s9] =	ssyncset.done $0x0  }
0x23: {  	[sflag:s9] =	ssyncadd.s32 $0xFFFFE700  }
0x24: {  	[tilespmem:s11], [sflag:$0x1] =	stream.indirect.gather [hbm4b:s2+s10], $0x80, s3, s10, $0xb8;
	[tilespmem:$0x15C00] =	vst v63  }
0x25: {  	s0 =	simm.s32 $0x5C00  }
0x26: {  	[tilespmem:s0], [sflag:$0x2] =	stream.indirect.gather [hbm4b:s2+s10], $0x80, s10, s10, $0xb8;
	[tilespmem:$0x15C00] =	vst v63  }
0x27: {  	s15 =	simm.s32 $0x100  }
0x28: {  	[tilespmem:s14], [sflag:$0x3] =	stream.indirect.gather [hbm4b:s2+s10], $0x80, s15, s10, $0xb8;
	[tilespmem:$0x15C00] =	vst v63  }
0x29: {  	s31 =	simm.s32 $0x180  }
0x2a: {  	[tilespmem:s16], [sflag:$0x4] =	stream.indirect.gather [hbm4b:s2+s10], $0x80, s31, s10, $0xb8;
	[tilespmem:$0x15C00] =	vst v63  }
0x2b: {  	s29 =	smov.u32 s8;
	s30 =	simm.s32 $0x0  }
0x2c: {  	[tilespmem:s18], [sflag:$0x5] =	stream.indirect.gather [hbm4b:s2+s10], $0x80, s17, s10, $0xb8;
	[tilespmem:$0x15C00] =	vst v63  }
.LBB2_2:
0x2d: {  	_ =	swait.ge [sflag:s19], $0x4000  }
0x2e: {  	[sflag:s19] =	ssyncset.done $0x0  }
0x2f: {  	s31 =	sadd.s32 $0xFFFFE000, s29;
	p0 =	seq.s32 s30, $0x5A00;
	[sflag:s19] =	ssyncadd.s32 $0xFFFFC000  }
0x30: {  	[hbm4b:s31+s3] =	stream.linear.scatter [tilespmem:s11], [sflag:$0x6], $0x4000, $0x38;
	[tilespmem:$0x15C00] =	vst v63  }
0x31: {  	s31 =	simm.s32 @p0 $0x2  }
0x32: {  	_ =	swait.ge @p0 [sflag:s31], $0x4000  }
0x33: {  	[sflag:s31] =	ssyncset.done @p0 $0x0  }
0x34: {  	s1 =	simm.s32 @p0 $0x5C00;
	[sflag:s31] =	ssyncadd.s32 @p0 $0xFFFFC000;
	s31 =	simm.s32 @p0 $0x0  }
0x35: {  	[hbm4b:s6+s31] =	stream.linear.scatter @p0 [tilespmem:s1], [sflag:$0x7], $0x4000, $0x38;
	[tilespmem:$0x15C00] =	vst v63  }
0x36: {  	s1 =	simm.s32 @!p0 $0x6  }
0x37: {  	_ =	swait.ge @!p0 [sflag:s1], $0x4000  }
0x38: {  	[sflag:s1] =	ssyncset.done @!p0 $0x0  }
0x39: {  	[sflag:s1] =	ssyncadd.s32 @!p0 $0xFFFFC000;
	s1 =	sshra.s32 @!p0 s30, $0x2  }
0x3a: {  	s12 =	simm.s32 @!p0 $0x80;
	s13 =	simm.s32 @!p0 $0x1C00;
	s0 =	sadd.s32 @!p0 $0x280, s1  }
0x3b: {  	[tilespmem:s13], [sflag:$0x1] =	stream.indirect.gather @!p0 [hbm4b:s2+s12], $0x80, s0, s12, $0xb8;
	[tilespmem:$0x15C00] =	vst v63  }
0x3c: {  	s0 =	simm.s32 @!p0 $0x2  }
0x3d: {  	_ =	swait.ge @!p0 [sflag:s0], $0x4000  }
0x3e: {  	s15 =	simm.s32 @!p0 $0x5C00;
	[sflag:s0] =	ssyncset.done @!p0 $0x0  }
0x3f: {  	s13 =	simm.s32 @!p0 $0x0;
	[sflag:s0] =	ssyncadd.s32 @!p0 $0xFFFFC000;
	s0 =	sadd.s32 @!p0 $0xFFFFE800, s29  }
0x40: {  	[hbm4b:s0+s13] =	stream.linear.scatter @!p0 [tilespmem:s15], [sflag:$0x7], $0x4000, $0x38;
	[tilespmem:$0x15C00] =	vst v63  }
0x41: {  	s0 =	simm.s32 @!p0 $0x7  }
0x42: {  	_ =	swait.ge @!p0 [sflag:s0], $0x4000  }
0x43: {  	[sflag:s0] =	ssyncset.done @!p0 $0x0  }
0x44: {  	[sflag:s0] =	ssyncadd.s32 @!p0 $0xFFFFC000;
	s0 =	sadd.s32 @!p0 $0x300, s1  }
0x45: {  	[tilespmem:s15], [sflag:$0x2] =	stream.indirect.gather @!p0 [hbm4b:s2+s12], $0x80, s0, s12, $0xb8;
	[tilespmem:$0x15C00] =	vst v63  }
0x46: {  	_ =	swait.ge [sflag:s20], $0x4000  }
0x47: {  	[sflag:s20] =	ssyncset.done $0x0  }
0x48: {  	s15 =	sadd.s32 $0xFFFFF000, s29;
	s0 =	simm.s32 @p0 $0x4;
	[sflag:s20] =	ssyncadd.s32 $0xFFFFC000  }
0x49: {  	[hbm4b:s15+s3] =	stream.linear.scatter [tilespmem:s14], [sflag:$0x8], $0x4000, $0x38;
	[tilespmem:$0x15C00] =	vst v63  }
0x4a: {  	_ =	swait.ge @p0 [sflag:s0], $0x4000  }
0x4b: {  	[sflag:s0] =	ssyncset.done @p0 $0x0  }
0x4c: {  	[sflag:s0] =	ssyncadd.s32 @p0 $0xFFFFC000;
	s0 =	simm.s32 @p0 $0xDC00  }
0x4d: {  	[hbm4b:s7+s31] =	stream.linear.scatter @p0 [tilespmem:s0], [sflag:$0x9], $0x4000, $0x38;
	[tilespmem:$0x15C00] =	vst v63  }
0x4e: {  	s0 =	simm.s32 @!p0 $0x8  }
0x4f: {  	_ =	swait.ge @!p0 [sflag:s0], $0x4000  }
0x50: {  	[sflag:s0] =	ssyncset.done @!p0 $0x0  }
0x51: {  	s15 =	simm.s32 @!p0 $0x9C00;
	[sflag:s0] =	ssyncadd.s32 @!p0 $0xFFFFC000;
	s0 =	sadd.s32 @!p0 $0x380, s1  }
0x52: {  	[tilespmem:s15], [sflag:$0x3] =	stream.indirect.gather @!p0 [hbm4b:s2+s12], $0x80, s0, s12, $0xb8;
	[tilespmem:$0x15C00] =	vst v63  }
0x53: {  	s0 =	simm.s32 @!p0 $0x4  }
0x54: {  	_ =	swait.ge @!p0 [sflag:s0], $0x4000  }
0x55: {  	[sflag:s0] =	ssyncset.done @!p0 $0x0  }
0x56: {  	s15 =	simm.s32 @!p0 $0xDC00;
	[sflag:s0] =	ssyncadd.s32 @!p0 $0xFFFFC000;
	s0 =	sadd.s32 @!p0 $0xFFFFF800, s29  }
0x57: {  	[hbm4b:s0+s13] =	stream.linear.scatter @!p0 [tilespmem:s15], [sflag:$0x9], $0x4000, $0x38;
	[tilespmem:$0x15C00] =	vst v63  }
0x58: {  	s0 =	simm.s32 @!p0 $0x9  }
0x59: {  	_ =	swait.ge @!p0 [sflag:s0], $0x4000  }
0x5a: {  	[sflag:s0] =	ssyncset.done @!p0 $0x0  }
0x5b: {  	[sflag:s0] =	ssyncadd.s32 @!p0 $0xFFFFC000;
	s0 =	sadd.s32 @!p0 $0x400, s1  }
0x5c: {  	[tilespmem:s15], [sflag:$0x4] =	stream.indirect.gather @!p0 [hbm4b:s2+s12], $0x80, s0, s12, $0xb8;
	[tilespmem:$0x15C00] =	vst v63  }
.Ltmp2:
0x5d: {  	_ = 	snop;
	(pc) =	sbr.rel @p0 .LBB2_4-.Ltmp2, $4  }
0x5e: {  	_ =	swait.ge [sflag:s21], $0x4000  }
0x5f: {  	[sflag:s21] =	ssyncset.done $0x0  }
0x60: {  	[sflag:s21] =	ssyncadd.s32 $0xFFFFC000  }
0x61: {  	[hbm4b:s29+s3] =	stream.linear.scatter [tilespmem:s18], [sflag:$0xA], $0x4000, $0x38;
	[tilespmem:$0x15C00] =	vst v63  }
.Ltmp3:
0x62: {  	(pc) =	sbr.rel .LBB2_2-.Ltmp3, $4  }
0x63: {  	_ =	swait.ge [sflag:s26], $0x4000  }
0x64: {  	s0 =	sshra.s32 s30, $0x2;
	s30 =	sadd.s32 $0xA00, s30;
	[sflag:s26] =	ssyncset.done $0x0  }
0x65: {  	s29 =	sadd.s32 $0x2800, s29;
	s0 =	sadd.s32 $0x480, s0;
	[sflag:s26] =	ssyncadd.s32 $0xFFFFC000  }
0x66: {  	[tilespmem:s18], [sflag:$0x5] =	stream.indirect.gather [hbm4b:s2+s10], $0x80, s0, s10, $0xb8;
	[tilespmem:$0x15C00] =	vst v63  }
.LBB2_5:
0x67: {  	_ =	sfence.sel $0x180000  }
0x68: {  	[bflag:$0x0] =	sbarrier.arrive $0xFFFF  }
0x69: {  	_ =	strace $0x90000047  }
0x6a: {  	s0 =	stileid.u32;
	[bflag:$0x2] =	sbarrier.arrive $0xFFFF  }
0x6b: {  	p0 =	sne.s32 s0, $0x0;
	s0 =	rddreg [dreg:$0x3]  }
0x6c: {  	s0 =	sadd.s32 @!p0 $0x100000, s0  }
0x6d: {  	[sflag:s0] =	ssyncadd.tile.s32 @!p0 $0x1;
	_ =	shalt  }
.Lfunc_end2:
_tile_overlayer_lowered:
.L_overlay_start_2:
0x6e: {  	(tag) =	ssettag $0x2  }
0x6f: {  	s0 =	rddreg [dreg:$0x0];
	s2 =	stileid.u32  }
0x70: {  	s1 =	rddreg [dreg:$0x1];
	p0 =	sne.s32 s2, $0x0  }
0x71: {  	s3 =	rddreg [dreg:$0x2];
	[bflag:$0x3] =	sbarrier.arrive $0xFFFF;
	s2 =	simm.s32 @!p0 $0x1C0B  }
0x72: {  	[timem:s3], [sflag:s2] =	dma.local @!p0 [hbm:s0], s1  }
0x73: {  	s0 =	simm.s32 @!p0 $0xB  }
0x74: {  	_ =	swait.ge @!p0 [sflag:s0], s1  }
0x75: {  	s1 =	ssub.s32 @!p0 $0x0, s1;
	[sflag:s0] =	ssyncset.done @!p0 $0x0  }
0x76: {  	[sflag:s0] =	ssyncadd.s32 @!p0 s1  }
0x77: {  	[bflag:$0x3] =	sbarrier.arrive $0xFFFF  }
0x78: {  	_ =	shalt  }

</sc_bundles>
